<compile_context>
chip_gen: v7x
topology: tpu7x:2x2x1
jax: 0.10.2.dev20260603
libtpu: 0.0.44.dev20260713+nightly
codegen_flags: <defaults>
</compile_context>

<pallas_src>
import functools

import jax
import jax.numpy as jnp
from jax import lax
from jax.experimental import pallas as pl
from jax.experimental.pallas import tpu as pltpu
from jax.experimental.pallas import tpu_sc as plsc

B = 16384
D = 128
R = 8192
NB = B // R

NC, NS = 2, 16
NW = NC * NS
RPW = B // NW
CH = 128
NCH = RPW // CH


def _tc_body(x_ref, gu_hbm, xui_ref, sem_u):
    i = pl.program_id(0)
    cu = pltpu.make_async_copy(
        x_ref.at[0], gu_hbm.at[pl.ds(i * R, R), :], sem_u)
    cu.start()
    xui_ref[...] = jnp.sum(x_ref[0] * x_ref[1], axis=1).reshape(R // 128, 128)
    cu.wait()


def _tc_part(inputs):
    gu, xui2d = pl.pallas_call(
        _tc_body,
        grid=(NB,),
        in_specs=[pl.BlockSpec((2, R, D), lambda i: (0, i, 0))],
        out_specs=[
            pl.BlockSpec(memory_space=pl.ANY),
            pl.BlockSpec((R // 128, 128), lambda i: (i, 0)),
        ],
        out_shape=[
            jax.ShapeDtypeStruct((B, D), jnp.float32),
            jax.ShapeDtypeStruct((B // 128, 128), jnp.float32),
        ],
        scratch_shapes=[pltpu.SemaphoreType.DMA],
    )(inputs)
    return xui2d.reshape(B), gu


_sc_mesh = plsc.VectorSubcoreMesh(core_axis_name="c", subcore_axis_name="s")


@functools.partial(
    pl.kernel,
    out_type=jax.ShapeDtypeStruct((B, D), jnp.float32),
    mesh=_sc_mesh,
    scratch_types=[
        pltpu.VMEM((2, CH, D), jnp.float32),
        pltpu.SemaphoreType.DMA,
        pltpu.SemaphoreType.DMA,
        pltpu.SemaphoreType.DMA,
    ],
)
def _sc_copy(x_hbm, gi_hbm, bi, sem_in0, sem_in1, sem_out):
    wid = lax.axis_index("s") * NC + lax.axis_index("c")
    base = wid * RPW
    in_sems = (sem_in0, sem_in1)

    def start_in(k):
        s = k % 2
        ci = pltpu.make_async_copy(
            x_hbm.at[1, pl.ds(base + k * CH, CH), :], bi.at[s], in_sems[s])
        ci.start()
        return ci

    def start_out(k):
        s = k % 2
        ci = pltpu.make_async_copy(
            bi.at[s], gi_hbm.at[pl.ds(base + k * CH, CH), :], sem_out)
        ci.start()
        return ci

    ins = [None] * NCH
    ins[0] = start_in(0)
    prev_out = None
    for k in range(NCH):
        if k + 1 < NCH:
            if prev_out is not None:
                prev_out.wait()
                prev_out = None
            ins[k + 1] = start_in(k + 1)
        ins[k].wait()
        if prev_out is not None:
            prev_out.wait()
        prev_out = start_out(k)
    prev_out.wait()


def kernel(inputs):
    xui, gu_out = _tc_part(inputs)
    gi_out = _sc_copy(inputs)
    return (xui, gu_out, gi_out)

# --- scband reference (transcript-rebuilt; emitter-appended) ---
"""Pipeline reference for scband-ngcfuumodel-77214922048057 (READ-ONLY COPY).

The authoritative reference and input builder live on the scoring server;
editing this copy changes nothing except your own understanding.
"""

import jax, jax.numpy as jnp
import numpy as np


def setup_inputs(seed: int = 0) -> dict:
    key = jax.random.key(seed)
    # forward(inputs) where inputs = (gu, gi); packed as a single [2, B, d] tensor
    inputs = jax.random.normal(key, (2, 16384, 128), dtype=jnp.float32)
    return {"inputs": inputs}


def reference(inputs):
    # gu, gi = inputs  (unpack along leading dim)
    gu = inputs[0]
    gi = inputs[1]
    gamma_u = jnp.squeeze(gu)
    gamma_i = jnp.squeeze(gi)
    xui = jnp.sum(gamma_u * gamma_i, axis=1)
    return (xui, gamma_u, gamma_i)

if __name__ == "__main__":
    import jax
    _d = setup_inputs()
    print(jax.jit(kernel)(*tuple(_d.values())))

</pallas_src>

<mosaic_0001>
#map = affine_map<(d0, d1) -> (0, 0, 0)>
#map1 = affine_map<(d0, d1) -> (0, 0)>
module attributes {stable_mosaic.version = 14 : i64} {
  func.func @_sc_copy(%arg0: i32, %arg1: i32, %arg2: memref<2x16384x128xf32, #tpu.memory_space<hbm>>, %arg3: memref<16384x128xf32, #tpu.memory_space<hbm>>, %arg4: memref<2x128x128xf32, #tpu.memory_space<vmem>>, %arg5: memref<!tpu.dma_semaphore, #tpu.memory_space<semaphore_mem>>, %arg6: memref<!tpu.dma_semaphore, #tpu.memory_space<semaphore_mem>>, %arg7: memref<!tpu.dma_semaphore, #tpu.memory_space<semaphore_mem>>) attributes {dimension_semantics = [#tpu.dimension_semantics<core_parallel>, #tpu.dimension_semantics<subcore_parallel>], iteration_bounds = array<i64: 2, 16>, scalar_prefetch = 0 : i64, scratch_operands = 4 : i64, tpu.core_type = #tpu.core_type<sc_vector_subcore>, window_params = [{transform_indices = #map}, {transform_indices = #map1}]} {
    %mul3A = arith.constant 2 : i32
    %mul3A_0 = arith.muli %arg1, %mul3A : i32
    %add3A = arith.addi %mul3A_0, %arg0 : i32
    %mul3A_1 = arith.constant 512 : i32
    %mul3A_2 = arith.muli %add3A, %mul3A_1 : i32
    %add3A_3 = arith.constant 0 : i32
    %add3A_4 = arith.addi %mul3A_2, %add3A_3 : i32
    %dma_start3A = arith.constant 1 : i32
    %dma_start3A_5 = arith.constant 0 : i32
    %dma_start3A_6 = arith.constant 0 : i32
    %dma_start3A_7 = arith.constant 0 : i32
    %dma_start3A_8 = tpu.memref_slice %arg4[%dma_start3A_5, %dma_start3A_6, %dma_start3A_7] : memref<2x128x128xf32, #tpu.memory_space<vmem>> -> memref<1x128x128xf32, #tpu.memory_space<vmem>>
    %dma_start3A_9 = tpu.memref_squeeze %dma_start3A_8 : memref<1x128x128xf32, #tpu.memory_space<vmem>> -> memref<128x128xf32, #tpu.memory_space<vmem>>
    %dma_start3A_10 = arith.constant 0 : i32
    %dma_start3A_11 = tpu.memref_slice %arg2[%dma_start3A, %add3A_4, %dma_start3A_10] : memref<2x16384x128xf32, #tpu.memory_space<hbm>> -> memref<1x128x128xf32, #tpu.memory_space<hbm>>
    %dma_start3A_12 = tpu.memref_squeeze %dma_start3A_11 : memref<1x128x128xf32, #tpu.memory_space<hbm>> -> memref<128x128xf32, #tpu.memory_space<hbm>>
    %dma_start3A_13 = arith.constant 0 : i32
    %dma_start3A_14 = arith.constant 0 : i32
    %dma_start3A_15 = tpu.memref_slice %arg4[%dma_start3A_5, %dma_start3A_13, %dma_start3A_14] : memref<2x128x128xf32, #tpu.memory_space<vmem>> -> memref<1x128x128xf32, #tpu.memory_space<vmem>>
    %dma_start3A_16 = tpu.memref_squeeze %dma_start3A_15 : memref<1x128x128xf32, #tpu.memory_space<vmem>> -> memref<128x128xf32, #tpu.memory_space<vmem>>
    %dma_start3A_17 = arith.constant 0 : i32
    %dma_start3A_18 = tpu.memref_slice %arg2[%dma_start3A, %add3A_4, %dma_start3A_17] : memref<2x16384x128xf32, #tpu.memory_space<hbm>> -> memref<1x128x128xf32, #tpu.memory_space<hbm>>
    %dma_start3A_19 = tpu.memref_squeeze %dma_start3A_18 : memref<1x128x128xf32, #tpu.memory_space<hbm>> -> memref<128x128xf32, #tpu.memory_space<hbm>>
    tpu.enqueue_dma source(%dma_start3A_19 : memref<128x128xf32, #tpu.memory_space<hbm>>) target(%dma_start3A_16 : memref<128x128xf32, #tpu.memory_space<vmem>>) target_semaphore(%arg5 : memref<!tpu.dma_semaphore, #tpu.memory_space<semaphore_mem>>)
    %add3A_20 = arith.constant 128 : i32
    %add3A_21 = arith.addi %mul3A_2, %add3A_20 : i32
    %dma_start3A_22 = arith.constant 1 : i32
    %dma_start3A_23 = arith.constant 1 : i32
    %dma_start3A_24 = arith.constant 0 : i32
    %dma_start3A_25 = arith.constant 0 : i32
    %dma_start3A_26 = tpu.memref_slice %arg4[%dma_start3A_23, %dma_start3A_24, %dma_start3A_25] : memref<2x128x128xf32, #tpu.memory_space<vmem>> -> memref<1x128x128xf32, #tpu.memory_space<vmem>>
    %dma_start3A_27 = tpu.memref_squeeze %dma_start3A_26 : memref<1x128x128xf32, #tpu.memory_space<vmem>> -> memref<128x128xf32, #tpu.memory_space<vmem>>
    %dma_start3A_28 = arith.constant 0 : i32
    %dma_start3A_29 = tpu.memref_slice %arg2[%dma_start3A_22, %add3A_21, %dma_start3A_28] : memref<2x16384x128xf32, #tpu.memory_space<hbm>> -> memref<1x128x128xf32, #tpu.memory_space<hbm>>
    %dma_start3A_30 = tpu.memref_squeeze %dma_start3A_29 : memref<1x128x128xf32, #tpu.memory_space<hbm>> -> memref<128x128xf32, #tpu.memory_space<hbm>>
    %dma_start3A_31 = arith.constant 0 : i32
    %dma_start3A_32 = arith.constant 0 : i32
    %dma_start3A_33 = tpu.memref_slice %arg4[%dma_start3A_23, %dma_start3A_31, %dma_start3A_32] : memref<2x128x128xf32, #tpu.memory_space<vmem>> -> memref<1x128x128xf32, #tpu.memory_space<vmem>>
    %dma_start3A_34 = tpu.memref_squeeze %dma_start3A_33 : memref<1x128x128xf32, #tpu.memory_space<vmem>> -> memref<128x128xf32, #tpu.memory_space<vmem>>
    %dma_start3A_35 = arith.constant 0 : i32
    %dma_start3A_36 = tpu.memref_slice %arg2[%dma_start3A_22, %add3A_21, %dma_start3A_35] : memref<2x16384x128xf32, #tpu.memory_space<hbm>> -> memref<1x128x128xf32, #tpu.memory_space<hbm>>
    %dma_start3A_37 = tpu.memref_squeeze %dma_start3A_36 : memref<1x128x128xf32, #tpu.memory_space<hbm>> -> memref<128x128xf32, #tpu.memory_space<hbm>>
    tpu.enqueue_dma source(%dma_start3A_37 : memref<128x128xf32, #tpu.memory_space<hbm>>) target(%dma_start3A_34 : memref<128x128xf32, #tpu.memory_space<vmem>>) target_semaphore(%arg6 : memref<!tpu.dma_semaphore, #tpu.memory_space<semaphore_mem>>)
    %dma_wait3A = arith.constant 1 : i32
    %dma_wait3A_38 = arith.constant 0 : i32
    %dma_wait3A_39 = arith.constant 0 : i32
    %dma_wait3A_40 = arith.constant 0 : i32
    %dma_wait3A_41 = tpu.memref_slice %arg4[%dma_wait3A_38, %dma_wait3A_39, %dma_wait3A_40] : memref<2x128x128xf32, #tpu.memory_space<vmem>> -> memref<1x128x128xf32, #tpu.memory_space<vmem>>
    %dma_wait3A_42 = tpu.memref_squeeze %dma_wait3A_41 : memref<1x128x128xf32, #tpu.memory_space<vmem>> -> memref<128x128xf32, #tpu.memory_space<vmem>>
    %dma_wait3A_43 = arith.constant 0 : i32
    %dma_wait3A_44 = tpu.memref_slice %arg2[%dma_wait3A, %add3A_4, %dma_wait3A_43] : memref<2x16384x128xf32, #tpu.memory_space<hbm>> -> memref<1x128x128xf32, #tpu.memory_space<hbm>>
    %dma_wait3A_45 = tpu.memref_squeeze %dma_wait3A_44 : memref<1x128x128xf32, #tpu.memory_space<hbm>> -> memref<128x128xf32, #tpu.memory_space<hbm>>
    %dma_wait3A_46 = arith.constant 0 : i32
    %dma_wait3A_47 = arith.constant 0 : i32
    %dma_wait3A_48 = tpu.memref_slice %arg4[%dma_wait3A_38, %dma_wait3A_46, %dma_wait3A_47] : memref<2x128x128xf32, #tpu.memory_space<vmem>> -> memref<1x128x128xf32, #tpu.memory_space<vmem>>
    %dma_wait3A_49 = tpu.memref_squeeze %dma_wait3A_48 : memref<1x128x128xf32, #tpu.memory_space<vmem>> -> memref<128x128xf32, #tpu.memory_space<vmem>>
    %dma_wait3A_50 = arith.constant 0 : i32
    %dma_wait3A_51 = tpu.memref_slice %arg2[%dma_wait3A, %add3A_4, %dma_wait3A_50] : memref<2x16384x128xf32, #tpu.memory_space<hbm>> -> memref<1x128x128xf32, #tpu.memory_space<hbm>>
    %dma_wait3A_52 = tpu.memref_squeeze %dma_wait3A_51 : memref<1x128x128xf32, #tpu.memory_space<hbm>> -> memref<128x128xf32, #tpu.memory_space<hbm>>
    tpu.wait_dma2 semaphore(%arg5 : memref<!tpu.dma_semaphore, #tpu.memory_space<semaphore_mem>>) src(%dma_wait3A_52 : memref<128x128xf32, #tpu.memory_space<hbm>>) dst(%dma_wait3A_49 : memref<128x128xf32, #tpu.memory_space<vmem>>)
    %add3A_53 = arith.constant 0 : i32
    %add3A_54 = arith.addi %mul3A_2, %add3A_53 : i32
    %dma_start3A_55 = arith.constant 0 : i32
    %dma_start3A_56 = arith.constant 0 : i32
    %dma_start3A_57 = arith.constant 0 : i32
    %dma_start3A_58 = tpu.memref_slice %arg4[%dma_start3A_55, %dma_start3A_56, %dma_start3A_57] : memref<2x128x128xf32, #tpu.memory_space<vmem>> -> memref<1x128x128xf32, #tpu.memory_space<vmem>>
    %dma_start3A_59 = tpu.memref_squeeze %dma_start3A_58 : memref<1x128x128xf32, #tpu.memory_space<vmem>> -> memref<128x128xf32, #tpu.memory_space<vmem>>
    %dma_start3A_60 = arith.constant 0 : i32
    %dma_start3A_61 = tpu.memref_slice %arg3[%add3A_54, %dma_start3A_60] : memref<16384x128xf32, #tpu.memory_space<hbm>> -> memref<128x128xf32, #tpu.memory_space<hbm>>
    %dma_start3A_62 = arith.constant 0 : i32
    %dma_start3A_63 = tpu.memref_slice %arg3[%add3A_54, %dma_start3A_62] : memref<16384x128xf32, #tpu.memory_space<hbm>> -> memref<128x128xf32, #tpu.memory_space<hbm>>
    %dma_start3A_64 = arith.constant 0 : i32
    %dma_start3A_65 = arith.constant 0 : i32
    %dma_start3A_66 = tpu.memref_slice %arg4[%dma_start3A_55, %dma_start3A_64, %dma_start3A_65] : memref<2x128x128xf32, #tpu.memory_space<vmem>> -> memref<1x128x128xf32, #tpu.memory_space<vmem>>
    %dma_start3A_67 = tpu.memref_squeeze %dma_start3A_66 : memref<1x128x128xf32, #tpu.memory_space<vmem>> -> memref<128x128xf32, #tpu.memory_space<vmem>>
    tpu.enqueue_dma source(%dma_start3A_67 : memref<128x128xf32, #tpu.memory_space<vmem>>) target(%dma_start3A_63 : memref<128x128xf32, #tpu.memory_space<hbm>>) target_semaphore(%arg7 : memref<!tpu.dma_semaphore, #tpu.memory_space<semaphore_mem>>)
    %dma_wait3A_68 = arith.constant 0 : i32
    %dma_wait3A_69 = arith.constant 0 : i32
    %dma_wait3A_70 = arith.constant 0 : i32
    %dma_wait3A_71 = tpu.memref_slice %arg4[%dma_wait3A_68, %dma_wait3A_69, %dma_wait3A_70] : memref<2x128x128xf32, #tpu.memory_space<vmem>> -> memref<1x128x128xf32, #tpu.memory_space<vmem>>
    %dma_wait3A_72 = tpu.memref_squeeze %dma_wait3A_71 : memref<1x128x128xf32, #tpu.memory_space<vmem>> -> memref<128x128xf32, #tpu.memory_space<vmem>>
    %dma_wait3A_73 = arith.constant 0 : i32
    %dma_wait3A_74 = tpu.memref_slice %arg3[%add3A_54, %dma_wait3A_73] : memref<16384x128xf32, #tpu.memory_space<hbm>> -> memref<128x128xf32, #tpu.memory_space<hbm>>
    %dma_wait3A_75 = arith.constant 0 : i32
    %dma_wait3A_76 = tpu.memref_slice %arg3[%add3A_54, %dma_wait3A_75] : memref<16384x128xf32, #tpu.memory_space<hbm>> -> memref<128x128xf32, #tpu.memory_space<hbm>>
    %dma_wait3A_77 = arith.constant 0 : i32
    %dma_wait3A_78 = arith.constant 0 : i32
    %dma_wait3A_79 = tpu.memref_slice %arg4[%dma_wait3A_68, %dma_wait3A_77, %dma_wait3A_78] : memref<2x128x128xf32, #tpu.memory_space<vmem>> -> memref<1x128x128xf32, #tpu.memory_space<vmem>>
    %dma_wait3A_80 = tpu.memref_squeeze %dma_wait3A_79 : memref<1x128x128xf32, #tpu.memory_space<vmem>> -> memref<128x128xf32, #tpu.memory_space<vmem>>
    tpu.wait_dma2 semaphore(%arg7 : memref<!tpu.dma_semaphore, #tpu.memory_space<semaphore_mem>>) src(%dma_wait3A_80 : memref<128x128xf32, #tpu.memory_space<vmem>>) dst(%dma_wait3A_76 : memref<128x128xf32, #tpu.memory_space<hbm>>)
    %add3A_81 = arith.constant 256 : i32
    %add3A_82 = arith.addi %mul3A_2, %add3A_81 : i32
    %dma_start3A_83 = arith.constant 1 : i32
    %dma_start3A_84 = arith.constant 0 : i32
    %dma_start3A_85 = arith.constant 0 : i32
    %dma_start3A_86 = arith.constant 0 : i32
    %dma_start3A_87 = tpu.memref_slice %arg4[%dma_start3A_84, %dma_start3A_85, %dma_start3A_86] : memref<2x128x128xf32, #tpu.memory_space<vmem>> -> memref<1x128x128xf32, #tpu.memory_space<vmem>>
    %dma_start3A_88 = tpu.memref_squeeze %dma_start3A_87 : memref<1x128x128xf32, #tpu.memory_space<vmem>> -> memref<128x128xf32, #tpu.memory_space<vmem>>
    %dma_start3A_89 = arith.constant 0 : i32
    %dma_start3A_90 = tpu.memref_slice %arg2[%dma_start3A_83, %add3A_82, %dma_start3A_89] : memref<2x16384x128xf32, #tpu.memory_space<hbm>> -> memref<1x128x128xf32, #tpu.memory_space<hbm>>
    %dma_start3A_91 = tpu.memref_squeeze %dma_start3A_90 : memref<1x128x128xf32, #tpu.memory_space<hbm>> -> memref<128x128xf32, #tpu.memory_space<hbm>>
    %dma_start3A_92 = arith.constant 0 : i32
    %dma_start3A_93 = arith.constant 0 : i32
    %dma_start3A_94 = tpu.memref_slice %arg4[%dma_start3A_84, %dma_start3A_92, %dma_start3A_93] : memref<2x128x128xf32, #tpu.memory_space<vmem>> -> memref<1x128x128xf32, #tpu.memory_space<vmem>>
    %dma_start3A_95 = tpu.memref_squeeze %dma_start3A_94 : memref<1x128x128xf32, #tpu.memory_space<vmem>> -> memref<128x128xf32, #tpu.memory_space<vmem>>
    %dma_start3A_96 = arith.constant 0 : i32
    %dma_start3A_97 = tpu.memref_slice %arg2[%dma_start3A_83, %add3A_82, %dma_start3A_96] : memref<2x16384x128xf32, #tpu.memory_space<hbm>> -> memref<1x128x128xf32, #tpu.memory_space<hbm>>
    %dma_start3A_98 = tpu.memref_squeeze %dma_start3A_97 : memref<1x128x128xf32, #tpu.memory_space<hbm>> -> memref<128x128xf32, #tpu.memory_space<hbm>>
    tpu.enqueue_dma source(%dma_start3A_98 : memref<128x128xf32, #tpu.memory_space<hbm>>) target(%dma_start3A_95 : memref<128x128xf32, #tpu.memory_space<vmem>>) target_semaphore(%arg5 : memref<!tpu.dma_semaphore, #tpu.memory_space<semaphore_mem>>)
    %dma_wait3A_99 = arith.constant 1 : i32
    %dma_wait3A_100 = arith.constant 1 : i32
    %dma_wait3A_101 = arith.constant 0 : i32
    %dma_wait3A_102 = arith.constant 0 : i32
    %dma_wait3A_103 = tpu.memref_slice %arg4[%dma_wait3A_100, %dma_wait3A_101, %dma_wait3A_102] : memref<2x128x128xf32, #tpu.memory_space<vmem>> -> memref<1x128x128xf32, #tpu.memory_space<vmem>>
    %dma_wait3A_104 = tpu.memref_squeeze %dma_wait3A_103 : memref<1x128x128xf32, #tpu.memory_space<vmem>> -> memref<128x128xf32, #tpu.memory_space<vmem>>
    %dma_wait3A_105 = arith.constant 0 : i32
    %dma_wait3A_106 = tpu.memref_slice %arg2[%dma_wait3A_99, %add3A_21, %dma_wait3A_105] : memref<2x16384x128xf32, #tpu.memory_space<hbm>> -> memref<1x128x128xf32, #tpu.memory_space<hbm>>
    %dma_wait3A_107 = tpu.memref_squeeze %dma_wait3A_106 : memref<1x128x128xf32, #tpu.memory_space<hbm>> -> memref<128x128xf32, #tpu.memory_space<hbm>>
    %dma_wait3A_108 = arith.constant 0 : i32
    %dma_wait3A_109 = arith.constant 0 : i32
    %dma_wait3A_110 = tpu.memref_slice %arg4[%dma_wait3A_100, %dma_wait3A_108, %dma_wait3A_109] : memref<2x128x128xf32, #tpu.memory_space<vmem>> -> memref<1x128x128xf32, #tpu.memory_space<vmem>>
    %dma_wait3A_111 = tpu.memref_squeeze %dma_wait3A_110 : memref<1x128x128xf32, #tpu.memory_space<vmem>> -> memref<128x128xf32, #tpu.memory_space<vmem>>
    %dma_wait3A_112 = arith.constant 0 : i32
    %dma_wait3A_113 = tpu.memref_slice %arg2[%dma_wait3A_99, %add3A_21, %dma_wait3A_112] : memref<2x16384x128xf32, #tpu.memory_space<hbm>> -> memref<1x128x128xf32, #tpu.memory_space<hbm>>
    %dma_wait3A_114 = tpu.memref_squeeze %dma_wait3A_113 : memref<1x128x128xf32, #tpu.memory_space<hbm>> -> memref<128x128xf32, #tpu.memory_space<hbm>>
    tpu.wait_dma2 semaphore(%arg6 : memref<!tpu.dma_semaphore, #tpu.memory_space<semaphore_mem>>) src(%dma_wait3A_114 : memref<128x128xf32, #tpu.memory_space<hbm>>) dst(%dma_wait3A_111 : memref<128x128xf32, #tpu.memory_space<vmem>>)
    %add3A_115 = arith.constant 128 : i32
    %add3A_116 = arith.addi %mul3A_2, %add3A_115 : i32
    %dma_start3A_117 = arith.constant 1 : i32
    %dma_start3A_118 = arith.constant 0 : i32
    %dma_start3A_119 = arith.constant 0 : i32
    %dma_start3A_120 = tpu.memref_slice %arg4[%dma_start3A_117, %dma_start3A_118, %dma_start3A_119] : memref<2x128x128xf32, #tpu.memory_space<vmem>> -> memref<1x128x128xf32, #tpu.memory_space<vmem>>
    %dma_start3A_121 = tpu.memref_squeeze %dma_start3A_120 : memref<1x128x128xf32, #tpu.memory_space<vmem>> -> memref<128x128xf32, #tpu.memory_space<vmem>>
    %dma_start3A_122 = arith.constant 0 : i32
    %dma_start3A_123 = tpu.memref_slice %arg3[%add3A_116, %dma_start3A_122] : memref<16384x128xf32, #tpu.memory_space<hbm>> -> memref<128x128xf32, #tpu.memory_space<hbm>>
    %dma_start3A_124 = arith.constant 0 : i32
    %dma_start3A_125 = tpu.memref_slice %arg3[%add3A_116, %dma_start3A_124] : memref<16384x128xf32, #tpu.memory_space<hbm>> -> memref<128x128xf32, #tpu.memory_space<hbm>>
    %dma_start3A_126 = arith.constant 0 : i32
    %dma_start3A_127 = arith.constant 0 : i32
    %dma_start3A_128 = tpu.memref_slice %arg4[%dma_start3A_117, %dma_start3A_126, %dma_start3A_127] : memref<2x128x128xf32, #tpu.memory_space<vmem>> -> memref<1x128x128xf32, #tpu.memory_space<vmem>>
    %dma_start3A_129 = tpu.memref_squeeze %dma_start3A_128 : memref<1x128x128xf32, #tpu.memory_space<vmem>> -> memref<128x128xf32, #tpu.memory_space<vmem>>
    tpu.enqueue_dma source(%dma_start3A_129 : memref<128x128xf32, #tpu.memory_space<vmem>>) target(%dma_start3A_125 : memref<128x128xf32, #tpu.memory_space<hbm>>) target_semaphore(%arg7 : memref<!tpu.dma_semaphore, #tpu.memory_space<semaphore_mem>>)
    %dma_wait3A_130 = arith.constant 1 : i32
    %dma_wait3A_131 = arith.constant 0 : i32
    %dma_wait3A_132 = arith.constant 0 : i32
    %dma_wait3A_133 = tpu.memref_slice %arg4[%dma_wait3A_130, %dma_wait3A_131, %dma_wait3A_132] : memref<2x128x128xf32, #tpu.memory_space<vmem>> -> memref<1x128x128xf32, #tpu.memory_space<vmem>>
    %dma_wait3A_134 = tpu.memref_squeeze %dma_wait3A_133 : memref<1x128x128xf32, #tpu.memory_space<vmem>> -> memref<128x128xf32, #tpu.memory_space<vmem>>
    %dma_wait3A_135 = arith.constant 0 : i32
    %dma_wait3A_136 = tpu.memref_slice %arg3[%add3A_116, %dma_wait3A_135] : memref<16384x128xf32, #tpu.memory_space<hbm>> -> memref<128x128xf32, #tpu.memory_space<hbm>>
    %dma_wait3A_137 = arith.constant 0 : i32
    %dma_wait3A_138 = tpu.memref_slice %arg3[%add3A_116, %dma_wait3A_137] : memref<16384x128xf32, #tpu.memory_space<hbm>> -> memref<128x128xf32, #tpu.memory_space<hbm>>
    %dma_wait3A_139 = arith.constant 0 : i32
    %dma_wait3A_140 = arith.constant 0 : i32
    %dma_wait3A_141 = tpu.memref_slice %arg4[%dma_wait3A_130, %dma_wait3A_139, %dma_wait3A_140] : memref<2x128x128xf32, #tpu.memory_space<vmem>> -> memref<1x128x128xf32, #tpu.memory_space<vmem>>
    %dma_wait3A_142 = tpu.memref_squeeze %dma_wait3A_141 : memref<1x128x128xf32, #tpu.memory_space<vmem>> -> memref<128x128xf32, #tpu.memory_space<vmem>>
    tpu.wait_dma2 semaphore(%arg7 : memref<!tpu.dma_semaphore, #tpu.memory_space<semaphore_mem>>) src(%dma_wait3A_142 : memref<128x128xf32, #tpu.memory_space<vmem>>) dst(%dma_wait3A_138 : memref<128x128xf32, #tpu.memory_space<hbm>>)
    %add3A_143 = arith.constant 384 : i32
    %add3A_144 = arith.addi %mul3A_2, %add3A_143 : i32
    %dma_start3A_145 = arith.constant 1 : i32
    %dma_start3A_146 = arith.constant 1 : i32
    %dma_start3A_147 = arith.constant 0 : i32
    %dma_start3A_148 = arith.constant 0 : i32
    %dma_start3A_149 = tpu.memref_slice %arg4[%dma_start3A_146, %dma_start3A_147, %dma_start3A_148] : memref<2x128x128xf32, #tpu.memory_space<vmem>> -> memref<1x128x128xf32, #tpu.memory_space<vmem>>
    %dma_start3A_150 = tpu.memref_squeeze %dma_start3A_149 : memref<1x128x128xf32, #tpu.memory_space<vmem>> -> memref<128x128xf32, #tpu.memory_space<vmem>>
    %dma_start3A_151 = arith.constant 0 : i32
    %dma_start3A_152 = tpu.memref_slice %arg2[%dma_start3A_145, %add3A_144, %dma_start3A_151] : memref<2x16384x128xf32, #tpu.memory_space<hbm>> -> memref<1x128x128xf32, #tpu.memory_space<hbm>>
    %dma_start3A_153 = tpu.memref_squeeze %dma_start3A_152 : memref<1x128x128xf32, #tpu.memory_space<hbm>> -> memref<128x128xf32, #tpu.memory_space<hbm>>
    %dma_start3A_154 = arith.constant 0 : i32
    %dma_start3A_155 = arith.constant 0 : i32
    %dma_start3A_156 = tpu.memref_slice %arg4[%dma_start3A_146, %dma_start3A_154, %dma_start3A_155] : memref<2x128x128xf32, #tpu.memory_space<vmem>> -> memref<1x128x128xf32, #tpu.memory_space<vmem>>
    %dma_start3A_157 = tpu.memref_squeeze %dma_start3A_156 : memref<1x128x128xf32, #tpu.memory_space<vmem>> -> memref<128x128xf32, #tpu.memory_space<vmem>>
    %dma_start3A_158 = arith.constant 0 : i32
    %dma_start3A_159 = tpu.memref_slice %arg2[%dma_start3A_145, %add3A_144, %dma_start3A_158] : memref<2x16384x128xf32, #tpu.memory_space<hbm>> -> memref<1x128x128xf32, #tpu.memory_space<hbm>>
    %dma_start3A_160 = tpu.memref_squeeze %dma_start3A_159 : memref<1x128x128xf32, #tpu.memory_space<hbm>> -> memref<128x128xf32, #tpu.memory_space<hbm>>
    tpu.enqueue_dma source(%dma_start3A_160 : memref<128x128xf32, #tpu.memory_space<hbm>>) target(%dma_start3A_157 : memref<128x128xf32, #tpu.memory_space<vmem>>) target_semaphore(%arg6 : memref<!tpu.dma_semaphore, #tpu.memory_space<semaphore_mem>>)
    %dma_wait3A_161 = arith.constant 1 : i32
    %dma_wait3A_162 = arith.constant 0 : i32
    %dma_wait3A_163 = arith.constant 0 : i32
    %dma_wait3A_164 = arith.constant 0 : i32
    %dma_wait3A_165 = tpu.memref_slice %arg4[%dma_wait3A_162, %dma_wait3A_163, %dma_wait3A_164] : memref<2x128x128xf32, #tpu.memory_space<vmem>> -> memref<1x128x128xf32, #tpu.memory_space<vmem>>
    %dma_wait3A_166 = tpu.memref_squeeze %dma_wait3A_165 : memref<1x128x128xf32, #tpu.memory_space<vmem>> -> memref<128x128xf32, #tpu.memory_space<vmem>>
    %dma_wait3A_167 = arith.constant 0 : i32
    %dma_wait3A_168 = tpu.memref_slice %arg2[%dma_wait3A_161, %add3A_82, %dma_wait3A_167] : memref<2x16384x128xf32, #tpu.memory_space<hbm>> -> memref<1x128x128xf32, #tpu.memory_space<hbm>>
    %dma_wait3A_169 = tpu.memref_squeeze %dma_wait3A_168 : memref<1x128x128xf32, #tpu.memory_space<hbm>> -> memref<128x128xf32, #tpu.memory_space<hbm>>
    %dma_wait3A_170 = arith.constant 0 : i32
    %dma_wait3A_171 = arith.constant 0 : i32
    %dma_wait3A_172 = tpu.memref_slice %arg4[%dma_wait3A_162, %dma_wait3A_170, %dma_wait3A_171] : memref<2x128x128xf32, #tpu.memory_space<vmem>> -> memref<1x128x128xf32, #tpu.memory_space<vmem>>
    %dma_wait3A_173 = tpu.memref_squeeze %dma_wait3A_172 : memref<1x128x128xf32, #tpu.memory_space<vmem>> -> memref<128x128xf32, #tpu.memory_space<vmem>>
    %dma_wait3A_174 = arith.constant 0 : i32
    %dma_wait3A_175 = tpu.memref_slice %arg2[%dma_wait3A_161, %add3A_82, %dma_wait3A_174] : memref<2x16384x128xf32, #tpu.memory_space<hbm>> -> memref<1x128x128xf32, #tpu.memory_space<hbm>>
    %dma_wait3A_176 = tpu.memref_squeeze %dma_wait3A_175 : memref<1x128x128xf32, #tpu.memory_space<hbm>> -> memref<128x128xf32, #tpu.memory_space<hbm>>
    tpu.wait_dma2 semaphore(%arg5 : memref<!tpu.dma_semaphore, #tpu.memory_space<semaphore_mem>>) src(%dma_wait3A_176 : memref<128x128xf32, #tpu.memory_space<hbm>>) dst(%dma_wait3A_173 : memref<128x128xf32, #tpu.memory_space<vmem>>)
    %add3A_177 = arith.constant 256 : i32
    %add3A_178 = arith.addi %mul3A_2, %add3A_177 : i32
    %dma_start3A_179 = arith.constant 0 : i32
    %dma_start3A_180 = arith.constant 0 : i32
    %dma_start3A_181 = arith.constant 0 : i32
    %dma_start3A_182 = tpu.memref_slice %arg4[%dma_start3A_179, %dma_start3A_180, %dma_start3A_181] : memref<2x128x128xf32, #tpu.memory_space<vmem>> -> memref<1x128x128xf32, #tpu.memory_space<vmem>>
    %dma_start3A_183 = tpu.memref_squeeze %dma_start3A_182 : memref<1x128x128xf32, #tpu.memory_space<vmem>> -> memref<128x128xf32, #tpu.memory_space<vmem>>
    %dma_start3A_184 = arith.constant 0 : i32
    %dma_start3A_185 = tpu.memref_slice %arg3[%add3A_178, %dma_start3A_184] : memref<16384x128xf32, #tpu.memory_space<hbm>> -> memref<128x128xf32, #tpu.memory_space<hbm>>
    %dma_start3A_186 = arith.constant 0 : i32
    %dma_start3A_187 = tpu.memref_slice %arg3[%add3A_178, %dma_start3A_186] : memref<16384x128xf32, #tpu.memory_space<hbm>> -> memref<128x128xf32, #tpu.memory_space<hbm>>
    %dma_start3A_188 = arith.constant 0 : i32
    %dma_start3A_189 = arith.constant 0 : i32
    %dma_start3A_190 = tpu.memref_slice %arg4[%dma_start3A_179, %dma_start3A_188, %dma_start3A_189] : memref<2x128x128xf32, #tpu.memory_space<vmem>> -> memref<1x128x128xf32, #tpu.memory_space<vmem>>
    %dma_start3A_191 = tpu.memref_squeeze %dma_start3A_190 : memref<1x128x128xf32, #tpu.memory_space<vmem>> -> memref<128x128xf32, #tpu.memory_space<vmem>>
    tpu.enqueue_dma source(%dma_start3A_191 : memref<128x128xf32, #tpu.memory_space<vmem>>) target(%dma_start3A_187 : memref<128x128xf32, #tpu.memory_space<hbm>>) target_semaphore(%arg7 : memref<!tpu.dma_semaphore, #tpu.memory_space<semaphore_mem>>)
    %dma_wait3A_192 = arith.constant 1 : i32
    %dma_wait3A_193 = arith.constant 1 : i32
    %dma_wait3A_194 = arith.constant 0 : i32
    %dma_wait3A_195 = arith.constant 0 : i32
    %dma_wait3A_196 = tpu.memref_slice %arg4[%dma_wait3A_193, %dma_wait3A_194, %dma_wait3A_195] : memref<2x128x128xf32, #tpu.memory_space<vmem>> -> memref<1x128x128xf32, #tpu.memory_space<vmem>>
    %dma_wait3A_197 = tpu.memref_squeeze %dma_wait3A_196 : memref<1x128x128xf32, #tpu.memory_space<vmem>> -> memref<128x128xf32, #tpu.memory_space<vmem>>
    %dma_wait3A_198 = arith.constant 0 : i32
    %dma_wait3A_199 = tpu.memref_slice %arg2[%dma_wait3A_192, %add3A_144, %dma_wait3A_198] : memref<2x16384x128xf32, #tpu.memory_space<hbm>> -> memref<1x128x128xf32, #tpu.memory_space<hbm>>
    %dma_wait3A_200 = tpu.memref_squeeze %dma_wait3A_199 : memref<1x128x128xf32, #tpu.memory_space<hbm>> -> memref<128x128xf32, #tpu.memory_space<hbm>>
    %dma_wait3A_201 = arith.constant 0 : i32
    %dma_wait3A_202 = arith.constant 0 : i32
    %dma_wait3A_203 = tpu.memref_slice %arg4[%dma_wait3A_193, %dma_wait3A_201, %dma_wait3A_202] : memref<2x128x128xf32, #tpu.memory_space<vmem>> -> memref<1x128x128xf32, #tpu.memory_space<vmem>>
    %dma_wait3A_204 = tpu.memref_squeeze %dma_wait3A_203 : memref<1x128x128xf32, #tpu.memory_space<vmem>> -> memref<128x128xf32, #tpu.memory_space<vmem>>
    %dma_wait3A_205 = arith.constant 0 : i32
    %dma_wait3A_206 = tpu.memref_slice %arg2[%dma_wait3A_192, %add3A_144, %dma_wait3A_205] : memref<2x16384x128xf32, #tpu.memory_space<hbm>> -> memref<1x128x128xf32, #tpu.memory_space<hbm>>
    %dma_wait3A_207 = tpu.memref_squeeze %dma_wait3A_206 : memref<1x128x128xf32, #tpu.memory_space<hbm>> -> memref<128x128xf32, #tpu.memory_space<hbm>>
    tpu.wait_dma2 semaphore(%arg6 : memref<!tpu.dma_semaphore, #tpu.memory_space<semaphore_mem>>) src(%dma_wait3A_207 : memref<128x128xf32, #tpu.memory_space<hbm>>) dst(%dma_wait3A_204 : memref<128x128xf32, #tpu.memory_space<vmem>>)
    %dma_wait3A_208 = arith.constant 0 : i32
    %dma_wait3A_209 = arith.constant 0 : i32
    %dma_wait3A_210 = arith.constant 0 : i32
    %dma_wait3A_211 = tpu.memref_slice %arg4[%dma_wait3A_208, %dma_wait3A_209, %dma_wait3A_210] : memref<2x128x128xf32, #tpu.memory_space<vmem>> -> memref<1x128x128xf32, #tpu.memory_space<vmem>>
    %dma_wait3A_212 = tpu.memref_squeeze %dma_wait3A_211 : memref<1x128x128xf32, #tpu.memory_space<vmem>> -> memref<128x128xf32, #tpu.memory_space<vmem>>
    %dma_wait3A_213 = arith.constant 0 : i32
    %dma_wait3A_214 = tpu.memref_slice %arg3[%add3A_178, %dma_wait3A_213] : memref<16384x128xf32, #tpu.memory_space<hbm>> -> memref<128x128xf32, #tpu.memory_space<hbm>>
    %dma_wait3A_215 = arith.constant 0 : i32
    %dma_wait3A_216 = tpu.memref_slice %arg3[%add3A_178, %dma_wait3A_215] : memref<16384x128xf32, #tpu.memory_space<hbm>> -> memref<128x128xf32, #tpu.memory_space<hbm>>
    %dma_wait3A_217 = arith.constant 0 : i32
    %dma_wait3A_218 = arith.constant 0 : i32
    %dma_wait3A_219 = tpu.memref_slice %arg4[%dma_wait3A_208, %dma_wait3A_217, %dma_wait3A_218] : memref<2x128x128xf32, #tpu.memory_space<vmem>> -> memref<1x128x128xf32, #tpu.memory_space<vmem>>
    %dma_wait3A_220 = tpu.memref_squeeze %dma_wait3A_219 : memref<1x128x128xf32, #tpu.memory_space<vmem>> -> memref<128x128xf32, #tpu.memory_space<vmem>>
    tpu.wait_dma2 semaphore(%arg7 : memref<!tpu.dma_semaphore, #tpu.memory_space<semaphore_mem>>) src(%dma_wait3A_220 : memref<128x128xf32, #tpu.memory_space<vmem>>) dst(%dma_wait3A_216 : memref<128x128xf32, #tpu.memory_space<hbm>>)
    %add3A_221 = arith.constant 384 : i32
    %add3A_222 = arith.addi %mul3A_2, %add3A_221 : i32
    %dma_start3A_223 = arith.constant 1 : i32
    %dma_start3A_224 = arith.constant 0 : i32
    %dma_start3A_225 = arith.constant 0 : i32
    %dma_start3A_226 = tpu.memref_slice %arg4[%dma_start3A_223, %dma_start3A_224, %dma_start3A_225] : memref<2x128x128xf32, #tpu.memory_space<vmem>> -> memref<1x128x128xf32, #tpu.memory_space<vmem>>
    %dma_start3A_227 = tpu.memref_squeeze %dma_start3A_226 : memref<1x128x128xf32, #tpu.memory_space<vmem>> -> memref<128x128xf32, #tpu.memory_space<vmem>>
    %dma_start3A_228 = arith.constant 0 : i32
    %dma_start3A_229 = tpu.memref_slice %arg3[%add3A_222, %dma_start3A_228] : memref<16384x128xf32, #tpu.memory_space<hbm>> -> memref<128x128xf32, #tpu.memory_space<hbm>>
    %dma_start3A_230 = arith.constant 0 : i32
    %dma_start3A_231 = tpu.memref_slice %arg3[%add3A_222, %dma_start3A_230] : memref<16384x128xf32, #tpu.memory_space<hbm>> -> memref<128x128xf32, #tpu.memory_space<hbm>>
    %dma_start3A_232 = arith.constant 0 : i32
    %dma_start3A_233 = arith.constant 0 : i32
    %dma_start3A_234 = tpu.memref_slice %arg4[%dma_start3A_223, %dma_start3A_232, %dma_start3A_233] : memref<2x128x128xf32, #tpu.memory_space<vmem>> -> memref<1x128x128xf32, #tpu.memory_space<vmem>>
    %dma_start3A_235 = tpu.memref_squeeze %dma_start3A_234 : memref<1x128x128xf32, #tpu.memory_space<vmem>> -> memref<128x128xf32, #tpu.memory_space<vmem>>
    tpu.enqueue_dma source(%dma_start3A_235 : memref<128x128xf32, #tpu.memory_space<vmem>>) target(%dma_start3A_231 : memref<128x128xf32, #tpu.memory_space<hbm>>) target_semaphore(%arg7 : memref<!tpu.dma_semaphore, #tpu.memory_space<semaphore_mem>>)
    %dma_wait3A_236 = arith.constant 1 : i32
    %dma_wait3A_237 = arith.constant 0 : i32
    %dma_wait3A_238 = arith.constant 0 : i32
    %dma_wait3A_239 = tpu.memref_slice %arg4[%dma_wait3A_236, %dma_wait3A_237, %dma_wait3A_238] : memref<2x128x128xf32, #tpu.memory_space<vmem>> -> memref<1x128x128xf32, #tpu.memory_space<vmem>>
    %dma_wait3A_240 = tpu.memref_squeeze %dma_wait3A_239 : memref<1x128x128xf32, #tpu.memory_space<vmem>> -> memref<128x128xf32, #tpu.memory_space<vmem>>
    %dma_wait3A_241 = arith.constant 0 : i32
    %dma_wait3A_242 = tpu.memref_slice %arg3[%add3A_222, %dma_wait3A_241] : memref<16384x128xf32, #tpu.memory_space<hbm>> -> memref<128x128xf32, #tpu.memory_space<hbm>>
    %dma_wait3A_243 = arith.constant 0 : i32
    %dma_wait3A_244 = tpu.memref_slice %arg3[%add3A_222, %dma_wait3A_243] : memref<16384x128xf32, #tpu.memory_space<hbm>> -> memref<128x128xf32, #tpu.memory_space<hbm>>
    %dma_wait3A_245 = arith.constant 0 : i32
    %dma_wait3A_246 = arith.constant 0 : i32
    %dma_wait3A_247 = tpu.memref_slice %arg4[%dma_wait3A_236, %dma_wait3A_245, %dma_wait3A_246] : memref<2x128x128xf32, #tpu.memory_space<vmem>> -> memref<1x128x128xf32, #tpu.memory_space<vmem>>
    %dma_wait3A_248 = tpu.memref_squeeze %dma_wait3A_247 : memref<1x128x128xf32, #tpu.memory_space<vmem>> -> memref<128x128xf32, #tpu.memory_space<vmem>>
    tpu.wait_dma2 semaphore(%arg7 : memref<!tpu.dma_semaphore, #tpu.memory_space<semaphore_mem>>) src(%dma_wait3A_248 : memref<128x128xf32, #tpu.memory_space<vmem>>) dst(%dma_wait3A_244 : memref<128x128xf32, #tpu.memory_space<hbm>>)
    return
  }
}

module attributes {stable_mosaic.version = 14 : i64} {
  func.func @_tc_body(%arg0: i32, %arg1: memref<2x8192x128xf32, #tpu.memory_space<vmem>>, %arg2: memref<16384x128xf32, #tpu.memory_space<any>>, %arg3: memref<64x128xf32, #tpu.memory_space<vmem>>, %arg4: memref<!tpu.dma_semaphore, #tpu.memory_space<semaphore_mem>>) attributes {dimension_semantics = [#tpu.dimension_semantics<arbitrary>], iteration_bounds = array<i64: 2>, scalar_prefetch = 0 : i64, scratch_operands = 1 : i64, tpu.core_type = #tpu.core_type<tc>, window_params = [{transform_indices = @transform_0, window_bounds = array<i64: 2, 8192, 128>}, {}, {transform_indices = @transform_2, window_bounds = array<i64: 64, 128>}]} {
    %mul3A = arith.constant 8192 : i32
    %mul3A_0 = arith.muli %arg0, %mul3A : i32
    %dma_start3A = arith.constant 0 : i32
    %dma_start3A_1 = arith.constant 0 : i32
    %dma_start3A_2 = tpu.memref_slice %arg2[%mul3A_0, %dma_start3A_1] : memref<16384x128xf32, #tpu.memory_space<any>> -> memref<8192x128xf32, #tpu.memory_space<any>>
    %dma_start3A_3 = arith.constant 0 : i32
    %dma_start3A_4 = arith.constant 0 : i32
    %dma_start3A_5 = tpu.memref_slice %arg1[%dma_start3A, %dma_start3A_3, %dma_start3A_4] : memref<2x8192x128xf32, #tpu.memory_space<vmem>> -> memref<1x8192x128xf32, #tpu.memory_space<vmem>>
    %dma_start3A_6 = tpu.memref_squeeze %dma_start3A_5 : memref<1x8192x128xf32, #tpu.memory_space<vmem>> -> memref<8192x128xf32, #tpu.memory_space<vmem>>
    tpu.enqueue_dma source(%dma_start3A_6 : memref<8192x128xf32, #tpu.memory_space<vmem>>) target(%dma_start3A_2 : memref<8192x128xf32, #tpu.memory_space<any>>) target_semaphore(%arg4 : memref<!tpu.dma_semaphore, #tpu.memory_space<semaphore_mem>>)
    %get3A = arith.constant 0 : index
    %get3A_7 = arith.constant 0 : index
    %get3A_8 = arith.constant 0 : index
    %get3A_9 = vector.load %arg1[%get3A, %get3A_7, %get3A_8] : memref<2x8192x128xf32, #tpu.memory_space<vmem>>, vector<1x8192x128xf32>
    %get3A_10 = vector.shape_cast %get3A_9 : vector<1x8192x128xf32> to vector<8192x128xf32>
    %get3A_11 = arith.constant 1 : index
    %get3A_12 = arith.constant 0 : index
    %get3A_13 = arith.constant 0 : index
    %get3A_14 = vector.load %arg1[%get3A_11, %get3A_12, %get3A_13] : memref<2x8192x128xf32, #tpu.memory_space<vmem>>, vector<1x8192x128xf32>
    %get3A_15 = vector.shape_cast %get3A_14 : vector<1x8192x128xf32> to vector<8192x128xf32>
    %mul3A_16 = arith.mulf %get3A_10, %get3A_15 : vector<8192x128xf32>
    %reduce_sum3A = arith.constant dense<0.000000e+00> : vector<8192xf32>
    %reduce_sum3A_17 = vector.multi_reduction <add>, %mul3A_16, %reduce_sum3A [1] : vector<8192x128xf32> to vector<8192xf32>
    %reshape3A = vector.shape_cast %reduce_sum3A_17 : vector<8192xf32> to vector<64x128xf32>
    %swap3A = arith.constant 0 : index
    %swap3A_18 = arith.constant 0 : index
    %swap3A_19 = vector.load %arg3[%swap3A, %swap3A_18] : memref<64x128xf32, #tpu.memory_space<vmem>>, vector<64x128xf32>
    tpu.vector_store %arg3[%swap3A, %swap3A_18], %reshape3A {strides = array<i32>} : memref<64x128xf32, #tpu.memory_space<vmem>>, vector<64x128xf32>,
    %dma_wait3A = arith.constant 0 : i32
    %dma_wait3A_20 = arith.constant 0 : i32
    %dma_wait3A_21 = tpu.memref_slice %arg2[%mul3A_0, %dma_wait3A_20] : memref<16384x128xf32, #tpu.memory_space<any>> -> memref<8192x128xf32, #tpu.memory_space<any>>
    %dma_wait3A_22 = arith.constant 0 : i32
    %dma_wait3A_23 = arith.constant 0 : i32
    %dma_wait3A_24 = tpu.memref_slice %arg1[%dma_wait3A, %dma_wait3A_22, %dma_wait3A_23] : memref<2x8192x128xf32, #tpu.memory_space<vmem>> -> memref<1x8192x128xf32, #tpu.memory_space<vmem>>
    %dma_wait3A_25 = tpu.memref_squeeze %dma_wait3A_24 : memref<1x8192x128xf32, #tpu.memory_space<vmem>> -> memref<8192x128xf32, #tpu.memory_space<vmem>>
    tpu.wait_dma2 semaphore(%arg4 : memref<!tpu.dma_semaphore, #tpu.memory_space<semaphore_mem>>) src(%dma_wait3A_25 : memref<8192x128xf32, #tpu.memory_space<vmem>>) dst(%dma_wait3A_21 : memref<8192x128xf32, #tpu.memory_space<any>>)
    return
  }
  func.func @transform_0(%arg0: i32) -> (i32, i32, i32) {
    %c0_i32 = arith.constant 0 : i32
    %c0_i32_0 = arith.constant 0 : i32
    %c0_i32_1 = arith.constant 0 : i32
    return %c0_i32, %arg0, %c0_i32_0 : i32, i32, i32
  }
  func.func @transform_2(%arg0: i32) -> (i32, i32) {
    %c0_i32 = arith.constant 0 : i32
    %c0_i32_0 = arith.constant 0 : i32
    return %arg0, %c0_i32 : i32, i32
  }
}

</mosaic_0001>

<sc_bundles>
// kernel: kernel.4.cloned.1.call-start
scs
__scs_entry_jumppad:
0x0: {  	(pc) =	sbr.rel $0x88, $3  }
0x1: {  	(tag) =	ssettag $0x0;
	lr =	simm.s32 $0x1  }
0x2: {  	[smem:$0x3FA0] =	sst lr;
	_ =	strace $0xD0000000  }
0x3: {  	_ = 	snop  }
0x4: {  	_ = 	snop  }
0x5: {  	_ = 	snop  }
0x6: {  	_ = 	snop  }
0x7: {  	_ = 	snop  }
__scs_overlays_trampoline_lowered:
0x8: {  	[smem:$0x3FAF] =	sst s0  }
0x9: {  	[smem:$0x3FB0] =	sst s1  }
0xa: {  	[smem:$0x3FB1] =	sst s2  }
0xb: {  	[smem:$0x3FB2] =	sst s3  }
0xc: {  	[smem:$0x3FB3] =	sst s4  }
0xd: {  	[smem:$0x3FB4] =	sst s5  }
0xe: {  	[smem:$0x3FB5] =	sst s6  }
0xf: {  	[smem:$0x3FB6] =	sst s7  }
0x10: {  	[smem:$0x3FB7] =	sst s8  }
0x11: {  	[smem:$0x3FB8] =	sst s9;
	s0 =	simm.s32 @!p0 $0x0  }
0x12: {  	s1 =	sld [smem:$0x3F9E];
	s0 =	simm.s32 @p0 $0x1  }
0x13: {  	[smem:$0x3FB9] =	sst s0;
	s0 =	simm.s32 @!p1 $0x0  }
0x14: {  	s2 =	sld [smem:$0x3F9D];
	s0 =	simm.s32 @p1 $0x1  }
0x15: {  	[smem:$0x3FBA] =	sst s0;
	s0 =	simm.s32 @!p2 $0x0  }
0x16: {  	s3 =	sld [smem:$0x3FDB];
	s0 =	simm.s32 @p2 $0x1  }
0x17: {  	s4 =	simm.s32 $0x1BF5;
	[smem:$0x3FBC] =	sst s0  }
0x18: {  	s0 =	sld [smem:$0x3F9F];
	_ =	swait.ge [sflag:s4], $0x0  }
0x19: {  	s7 =	sld [smem:$0x3FA0]  }
0x1a: {  	s8 =	sadd.s32 $0xFFFFE003, lr  }
0x1b: {  	s9 =	sadd.s32 $0xFFFFFEF7, lr;
	s5 =	simm.s32 $0xFFFFFFFF;
	p2 =	slt.u32 s8, $0xFFFFF086  }
0x1c: {  	p1 =	slt.u32 s9, $0xF7A;
	s5 =	simm.s32 @!p2 $0x0  }
0x1d: {  	s5 =	simm.s32 @p1 $0x1;
	p0 =	seq.s32 s7, s2  }
0x1e: {  	s7 =	smul.u32 @!p0 $0xF7A, s2;
	p2 =	seq.s32 @!p0 s5, $0x0  }
0x1f: {  	s9 =	smul.u32 $0xF7A, s1;
	s8 =	simm.s32 @!p0 $0x1BF5;
	p2 =	por !p2, p0  }
0x20: {  	[sflag:s8] =	ssyncset.s32 @!p0 $0xFFFFF086;
	s6 =	sadd.s32 @!p0 s3, s7;
	s7 =	simm.s32 @!p0 $0x108  }
0x21: {  	s3 =	sadd.s32 s3, s9;
	s6 =	sadd.s32 @!p0 $0x88, s6;
	s7 =	simm.s32 @p2 $0x1082  }
0x22: {  	[simem:s7], [sflag:s8] =	dma.local @!p0 [hbm:s6], $0xF7A  }
0x23: {  	s9 =	sor.u32 $0xD0000000, s2;
	s6 =	simm.s32 $0x108;
	_ =	swait.ge @!p0 [sflag:s8], $0x0  }
0x24: {  	s3 =	sadd.s32 $0x88, s3;
	s6 =	simm.s32 @!p1 $0x1082;
	[sflag:s4] =	ssyncset.s32 $0xFFFFF086  }
0x25: {  	[simem:s6], [sflag:s4] =	dma.local [hbm:s3], $0xF7A  }
0x26: {  	[smem:$0x3FA0] =	sst s1;
	(tag) =	ssettag s2;
	_ =	strace s9  }
0x27: {  	s1 =	sld [smem:$0x3FB0]  }
0x28: {  	s2 =	sld [smem:$0x3FB1]  }
0x29: {  	s4 =	sld [smem:$0x3FB3]  }
0x2a: {  	p0 =	seq.s32 s5, $0x0;
	s5 =	sld [smem:$0x3FB4]  }
0x2b: {  	s6 =	sld [smem:$0x3FB5]  }
0x2c: {  	s7 =	sld [smem:$0x3FB6]  }
0x2d: {  	s3 =	simm.s32 $0x108;
	s8 =	sld [smem:$0x3FB7]  }
0x2e: {  	s3 =	simm.s32 @!p0 $0x1082;
	s9 =	sld [smem:$0x3FB8]  }
0x2f: {  	lr =	sadd.s32 s0, s3;
	s0 =	sld [smem:$0x3FAF]  }
0x30: {  	s3 =	sld [smem:$0x3FB2]  }
0x31: {  	[smem:$0x3FBB] =	sst s10  }
0x32: {  	s10 =	sld [smem:$0x3FB9];
	_ =	sdelay $0x3  }
0x33: {  	p0 =	seq.s32 s10, $0x1;
	s10 =	sld [smem:$0x3FBB];
	_ =	sdelay $0x3  }
0x34: {  	[smem:$0x3FBB] =	sst s10  }
0x35: {  	s10 =	sld [smem:$0x3FBA];
	_ =	sdelay $0x3  }
0x36: {  	p1 =	seq.s32 s10, $0x1;
	s10 =	sld [smem:$0x3FBB];
	_ =	sdelay $0x3  }
0x37: {  	[smem:$0x3FBB] =	sst s10  }
0x38: {  	s10 =	sld [smem:$0x3FBC]  }
0x39: {  	_ = 	snop;
	(pc) =	sbr.ind lr, $3  }
0x3a: {  	_ = 	snop  }
0x3b: {  	_ = 	snop  }
0x3c: {  	p2 =	seq.s32 s10, $0x1;
	s10 =	sld [smem:$0x3FBB]  }
0x3d: {  	_ =	shalt  }
0x3e: {  	_ =	shalt  }
0x3f: {  	_ =	shalt  }
0x40: {  	_ =	shalt  }
0x41: {  	_ =	shalt  }
0x42: {  	_ =	shalt  }
0x43: {  	_ =	shalt  }
0x44: {  	_ =	shalt  }
0x45: {  	_ =	shalt  }
0x46: {  	_ =	shalt  }
0x47: {  	_ =	shalt  }
0x48: {  	_ =	shalt  }
0x49: {  	_ =	shalt  }
0x4a: {  	_ =	shalt  }
0x4b: {  	_ =	shalt  }
0x4c: {  	_ =	shalt  }
0x4d: {  	_ =	shalt  }
0x4e: {  	_ =	shalt  }
0x4f: {  	_ =	shalt  }
0x50: {  	_ =	shalt  }
0x51: {  	_ =	shalt  }
0x52: {  	_ =	shalt  }
0x53: {  	_ =	shalt  }
0x54: {  	_ =	shalt  }
0x55: {  	_ =	shalt  }
0x56: {  	_ =	shalt  }
0x57: {  	_ =	shalt  }
0x58: {  	_ =	shalt  }
0x59: {  	_ =	shalt  }
0x5a: {  	_ =	shalt  }
0x5b: {  	_ =	shalt  }
0x5c: {  	_ =	shalt  }
0x5d: {  	_ =	shalt  }
0x5e: {  	_ =	shalt  }
0x5f: {  	_ =	shalt  }
0x60: {  	_ =	shalt  }
0x61: {  	_ =	shalt  }
0x62: {  	_ =	shalt  }
0x63: {  	_ =	shalt  }
0x64: {  	_ =	shalt  }
0x65: {  	_ =	shalt  }
0x66: {  	_ =	shalt  }
0x67: {  	_ =	shalt  }
0x68: {  	_ =	shalt  }
0x69: {  	_ =	shalt  }
0x6a: {  	_ =	shalt  }
0x6b: {  	_ =	shalt  }
0x6c: {  	_ =	shalt  }
0x6d: {  	_ =	shalt  }
0x6e: {  	_ =	shalt  }
0x6f: {  	_ =	shalt  }
0x70: {  	_ =	shalt  }
0x71: {  	_ =	shalt  }
0x72: {  	_ =	shalt  }
0x73: {  	_ =	shalt  }
0x74: {  	_ =	shalt  }
0x75: {  	_ =	shalt  }
0x76: {  	_ =	shalt  }
0x77: {  	_ =	shalt  }
0x78: {  	_ =	shalt  }
0x79: {  	_ =	shalt  }
0x7a: {  	_ =	shalt  }
0x7b: {  	_ =	shalt  }
0x7c: {  	_ =	shalt  }
0x7d: {  	_ =	shalt  }
0x7e: {  	_ =	shalt  }
0x7f: {  	_ =	shalt  }
0x80: {  	_ =	shalt  }
0x81: {  	_ =	shalt  }
0x82: {  	_ =	shalt  }
0x83: {  	_ =	shalt  }
0x84: {  	_ =	shalt  }
0x85: {  	_ =	shalt  }
0x86: {  	_ =	shalt  }
0x87: {  	_ =	shalt  }
.Lfunc_end0:
.L_simem_size_0:
called_computation_lowered:
.L_overlay_start_0:
0x88: {  	s2 =	sld [smem:$0x3FD9]  }
0x89: {  	s3 =	sld [smem:$0x3FFE];
	_ =	sdelay $0x1  }
0x8a: {  	s1 =	srdreg.scid  }
0x8b: {  	s0 =	sand.u32 $0x1, s1  }
0x8c: {  	s15 =	sshll.u32 s0, $0xA;
	s2 =	sadd.s32 s3, s2  }
0x8d: {  	s2 =	sadd.s32 s2, s15  }
0x8e: {  	[smem:$0x3FC7] =	sst s2  }
0x8f: {  	_ = 	snop  }
0x90: {  	s2 =	sld [smem:$0x3FD0];
	_ =	sdelay $0x2  }
0x91: {  	s4 =	simm.s32 $0xA;
	s5 =	simm.s32 $0x10;
	s16 =	sld [smem:$0x3FC9]  }
0x92: {  	[smem:s5], [sflag:s4] =	dma.local [hbm:s2], $0x1  }
0x93: {  	_ =	swait.eq [sflag:s4], $0x1  }
0x94: {  	[sflag:s4] =	ssyncset.done $0x0  }
0x95: {  	[sflag:s4] =	ssyncadd.s32 $0xFFFFFFFF  }
0x96: {  	s17 =	sld [smem:$0x12];
	(tm) =	ssettm $0x1  }
0x97: {  	s18 =	sld [smem:$0x3FFB];
	_ =	sdelay $0x3  }
0x98: {  	_ =	strace s18  }
0x99: {  	s4 =	sld [smem:$0x3FFC];
	_ =	sdelay $0x3  }
0x9a: {  	_ =	strace s4  }
0x9b: {  	s4 =	sld [smem:$0x3FFD];
	_ =	sdelay $0x3  }
0x9c: {  	_ =	strace s4  }
0x9d: {  	_ =	strace $0x8FFFFFFF  }
0x9e: {  	s19 =	sld [smem:$0x3FDB];
	_ =	sdelay $0x1  }
0x9f: {  	s20 =	simm.s32 $_scs_section_size  }
0xa0: {  	s6 =	simm.s32 $_size__tile_overlayer_lowered;
	s7 =	simm.s32 $_tile_overlayer_lowered  }
0xa1: {  	s23 =	simm.s32 $0x1BFF;
	s22 =	sshll.u32 s7, $0x1;
	s4 =	sadd.s32 s20, s19  }
0xa2: {  	s8 =	simm.s32 $0x0;
	s21 =	sshll.u32 s6, $0x1;
	s6 =	sadd.s32 s22, s4  }
0xa3: {  	[timem:s8], [sflag:s23] =	dma.local [hbm:s6], s21  }
0xa4: {  	_ =	swait.ge [sflag:s23], s21  }
0xa5: {  	s5 =	ssub.s32 $0x0, s21;
	[sflag:s23] =	ssyncset.done $0x0  }
0xa6: {  	[sflag:s23] =	ssyncadd.s32 s5;
	_ =	sdelay $0x1  }
0xa7: {  	s24 =	simm.s32 $0x1B8B  }
0xa8: {  	_ =	swait.ge [sflag:s24], $0x1  }
0xa9: {  	[sflag:s24] =	ssyncset.done $0x0  }
0xaa: {  	s25 =	simm.s32 $0x1B8E;
	[sflag:s24] =	ssyncadd.s32 $0xFFFFFFFF  }
0xab: {  	s26 =	simm.s32 $execute0_lowered;
	[smem:$0x3FD2] =	sst s25  }
0xac: {  	s5 =	sshll.u32 s26, $0x1;
	_ =	strace $0x80000046;
	[dreg:$0x1] =	wrdreg $0xFFFFFFFF  }
0xad: {  	s28 =	simm.s32 $_size_execute0_lowered;
	s4 =	sadd.s32 s4, s5;
	[dreg:$0x0] =	wrdreg $0x0  }
0xae: {  	s5 =	sshll.u32 s28, $0x1;
	[dreg:$0x2] =	wrdreg s4  }
0xaf: {  	[dreg:$0x3] =	wrdreg s5  }
0xb0: {  	[dreg:$0x4] =	wrdreg $0xC0  }
0xb1: {  	_ =	task [dreg:s8], $0x5FFFF  }
0xb2: {  	[dreg:$0x1] =	wrdreg $0xFFFFFFFF  }
0xb3: {  	[dreg:$0x0] =	wrdreg $0x60  }
0xb4: {  	[dreg:$0x2] =	wrdreg s16  }
0xb5: {  	[dreg:$0x3] =	wrdreg s17  }
0xb6: {  	[dreg:$0x4] =	wrdreg $0x9  }
0xb7: {  	_ =	task.clear_ibuf [dreg:s8], $0x5FFFF;
	_ =	strace $0x90000046  }
0xb8: {  	s29 =	simm.s32 $0x9;
	_ =	strace $0x80000048  }
0xb9: {  	_ =	swait.ge [sflag:s29], $0x1  }
0xba: {  	[sflag:s29] =	ssyncadd.s32 $0xFFFFFFFF  }
0xbb: {  	_ =	strace $0x90000048  }
0xbc: {  	_ =	sfence  }
0xbd: {  	s30 =	sld [smem:$0x0];
	_ =	sdelay $0x2  }
0xbe: {  	s31 =	sshll.u32 s1, $0xD;
	s1 =	sshrl.u32 s1, $0x2  }
0xbf: {  	s3 =	sand.u32 $0x4000, s31;
	s1 =	sadd.s32 s1, s30  }
0xc0: {  	s0 =	sor.u32 s3, s0;
	s1 =	sshll.u32 s1, $0x11  }
0xc1: {  	s0 =	sor.u32 s1, s0  }
0xc2: {  	s0 =	sadd.s32 $0x8F2B, s0  }
0xc3: {  	[sflag:s0] =	ssyncadd.remote.s32 $0x1  }
0xc4: {  	_ =	sfence.sel $0xFFFF  }
0xc5: {  	[dreg:$0x0] =	wrdreg $0xFFFFFFFF;
	(pc) =	sbr.abs _section_cstart, $3  }
0xc6: {  	[dreg:$0x1] =	wrdreg $0xFFFFFFFF  }
0xc7: {  	_ =	task.clear_ibuf [dreg:s8], $0x2FFFF;
	_ =	strace $0x9FFFFFFF  }
0xc8: {  	(tm) =	ssettm $0x7FFFFFFF  }
0xc9: {  	_ =	shalt  }
tec
execute0_lowered:
.L_overlay_start_1:
0x0: {  	(tag) =	ssettag $0x1  }
0x1: {  	s1 =	srdreg.scid  }
0x2: {  	s0 =	stileid.u32;
	s14 =	sand.u32 $0x1, s1  }
0x3: {  	s3 =	rddreg [dreg:$0x0];
	s4 =	sshll.u32 s0, $0xE;
	s5 =	sshll.u32 s14, $0xD  }
0x4: {  	s7 =	rddreg [dreg:$0x1];
	s2 =	simm.s32 $0x0;
	s8 =	sor.u32 s5, s4  }
0x5: {  	[smem:$0x7FF] =	sst s2;
	s12 =	sadd.s32 s8, s3  }
0x6: {  	s1 =	rddreg [dreg:$0x2];
	_ =	strace $0x80000047;
	s3 =	sadd.s32 $0x40000, s12  }
0x7: {  	[tilespmem:s2], [sflag:$0x1] =	stream.linear.gather [hbm4b:s3+s2], $0x4000, $0x38;
	[tilespmem:$0x8000] =	vst v63  }
0x8: {  	s6 =	simm.s32 $0x1;
	s5 =	simm.s32 $0x4000;
	s4 =	sadd.s32 $0x40800, s12  }
0x9: {  	[tilespmem:s5], [sflag:$0x2] =	stream.linear.gather [hbm4b:s4+s2], $0x4000, $0x38;
	[tilespmem:$0x8000] =	vst v63  }
0xa: {  	_ =	swait.ge [sflag:s6], $0x4000  }
0xb: {  	[sflag:s6] =	ssyncset.done $0x0  }
0xc: {  	s8 =	sadd.s32 s7, s8;
	s7 =	simm.s32 $0x3;
	[sflag:s6] =	ssyncadd.s32 $0xFFFFC000  }
0xd: {  	[hbm4b:s8+s2] =	stream.linear.scatter [tilespmem:s2], [sflag:$0x3], $0x4000, $0x38;
	[tilespmem:$0x8000] =	vst v63  }
0xe: {  	_ =	swait.ge [sflag:s7], $0x4000  }
0xf: {  	[sflag:s7] =	ssyncset.done $0x0  }
0x10: {  	s10 =	simm.s32 $0x2;
	s9 =	sadd.s32 $0x41000, s12;
	[sflag:s7] =	ssyncadd.s32 $0xFFFFC000  }
0x11: {  	[tilespmem:s2], [sflag:$0x1] =	stream.linear.gather [hbm4b:s9+s2], $0x4000, $0x38;
	[tilespmem:$0x8000] =	vst v63  }
0x12: {  	_ =	swait.ge [sflag:s10], $0x4000  }
0x13: {  	[sflag:s10] =	ssyncset.done $0x0  }
0x14: {  	s11 =	sadd.s32 $0x800, s8;
	[sflag:s10] =	ssyncadd.s32 $0xFFFFC000  }
0x15: {  	[hbm4b:s11+s2] =	stream.linear.scatter [tilespmem:s5], [sflag:$0x3], $0x4000, $0x38;
	[tilespmem:$0x8000] =	vst v63  }
0x16: {  	_ =	swait.ge [sflag:s7], $0x4000  }
0x17: {  	[sflag:s7] =	ssyncset.done $0x0  }
0x18: {  	s12 =	sadd.s32 $0x41800, s12;
	[sflag:s7] =	ssyncadd.s32 $0xFFFFC000  }
0x19: {  	[tilespmem:s5], [sflag:$0x2] =	stream.linear.gather [hbm4b:s12+s2], $0x4000, $0x38;
	[tilespmem:$0x8000] =	vst v63  }
0x1a: {  	_ =	swait.ge [sflag:s6], $0x4000  }
0x1b: {  	[sflag:s6] =	ssyncset.done $0x0  }
0x1c: {  	s14 =	ssub.s32 $0x2, s14;
	s13 =	sadd.s32 $0x1000, s8;
	[sflag:s6] =	ssyncadd.s32 $0xFFFFC000  }
0x1d: {  	[hbm4b:s13+s2] =	stream.linear.scatter [tilespmem:s2], [sflag:$0x3], $0x4000, $0x38;
	[tilespmem:$0x8000] =	vst v63  }
0x1e: {  	s15 =	sshrl.u32 s14, $0x1;
	_ =	swait.ge [sflag:s10], $0x4000  }
0x1f: {  	s15 =	ssub.s32 s14, s15;
	[sflag:s10] =	ssyncset.done $0x0  }
0x20: {  	s15 =	smax.u32 s15, $0x1;
	[sflag:s10] =	ssyncadd.s32 $0xFFFFC000  }
0x21: {  	p0 =	sne.s32 s15, $0x1;
	_ =	swait.ge [sflag:s7], $0x4000  }
.Ltmp0:
0x22: {  	[sflag:s7] =	ssyncset.done $0x0;
	(pc) =	sbr.rel @!p0 .LBB2_2-.Ltmp0, $4  }
0x23: {  	s14 =	sadd.s32 $0x1800, s8;
	[sflag:s7] =	ssyncadd.s32 $0xFFFFC000  }
0x24: {  	[hbm4b:s14+s2] =	stream.linear.scatter [tilespmem:s5], [sflag:$0x3], $0x4000, $0x38;
	[tilespmem:$0x8000] =	vst v63  }
0x25: {  	_ =	swait.ge [sflag:s7], $0x4000  }
0x26: {  	s15 =	sadd.s32 $0xFFFFFFFF, s15;
	[sflag:s7] =	ssyncset.done $0x0  }
.LBB2_1:
0x27: {  	p0 =	sne.s32 s15, $0x1;
	s15 =	sadd.s32 $0xFFFFFFFF, s15;
	[sflag:s7] =	ssyncadd.s32 $0xFFFFC000  }
0x28: {  	[tilespmem:s2], [sflag:$0x1] =	stream.linear.gather [hbm4b:s3+s2], $0x4000, $0x38;
	[tilespmem:$0x8000] =	vst v63  }
0x29: {  	_ = 	snop  }
0x2a: {  	[tilespmem:s5], [sflag:$0x2] =	stream.linear.gather [hbm4b:s4+s2], $0x4000, $0x38;
	[tilespmem:$0x8000] =	vst v63  }
0x2b: {  	_ =	swait.ge [sflag:s6], $0x4000  }
0x2c: {  	[sflag:s6] =	ssyncset.done $0x0  }
0x2d: {  	[sflag:s6] =	ssyncadd.s32 $0xFFFFC000  }
0x2e: {  	[hbm4b:s8+s2] =	stream.linear.scatter [tilespmem:s2], [sflag:$0x3], $0x4000, $0x38;
	[tilespmem:$0x8000] =	vst v63  }
0x2f: {  	_ =	swait.ge [sflag:s7], $0x4000  }
0x30: {  	[sflag:s7] =	ssyncset.done $0x0  }
0x31: {  	[sflag:s7] =	ssyncadd.s32 $0xFFFFC000  }
0x32: {  	[tilespmem:s2], [sflag:$0x1] =	stream.linear.gather [hbm4b:s9+s2], $0x4000, $0x38;
	[tilespmem:$0x8000] =	vst v63  }
0x33: {  	_ =	swait.ge [sflag:s10], $0x4000  }
0x34: {  	[sflag:s10] =	ssyncset.done $0x0  }
0x35: {  	[sflag:s10] =	ssyncadd.s32 $0xFFFFC000  }
0x36: {  	[hbm4b:s11+s2] =	stream.linear.scatter [tilespmem:s5], [sflag:$0x3], $0x4000, $0x38;
	[tilespmem:$0x8000] =	vst v63  }
0x37: {  	_ =	swait.ge [sflag:s7], $0x4000  }
0x38: {  	[sflag:s7] =	ssyncset.done $0x0  }
0x39: {  	[sflag:s7] =	ssyncadd.s32 $0xFFFFC000  }
0x3a: {  	[tilespmem:s5], [sflag:$0x2] =	stream.linear.gather [hbm4b:s12+s2], $0x4000, $0x38;
	[tilespmem:$0x8000] =	vst v63  }
0x3b: {  	_ =	swait.ge [sflag:s6], $0x4000  }
0x3c: {  	[sflag:s6] =	ssyncset.done $0x0  }
0x3d: {  	[sflag:s6] =	ssyncadd.s32 $0xFFFFC000  }
0x3e: {  	[hbm4b:s13+s2] =	stream.linear.scatter [tilespmem:s2], [sflag:$0x3], $0x4000, $0x38;
	[tilespmem:$0x8000] =	vst v63  }
0x3f: {  	_ =	swait.ge [sflag:s10], $0x4000  }
0x40: {  	[sflag:s10] =	ssyncset.done $0x0  }
0x41: {  	[sflag:s10] =	ssyncadd.s32 $0xFFFFC000  }
0x42: {  	_ =	swait.ge [sflag:s7], $0x4000  }
.Ltmp1:
0x43: {  	[sflag:s7] =	ssyncset.done $0x0;
	(pc) =	sbr.rel @p0 .LBB2_1-.Ltmp1, $4  }
0x44: {  	[sflag:s7] =	ssyncadd.s32 $0xFFFFC000  }
0x45: {  	[hbm4b:s14+s2] =	stream.linear.scatter [tilespmem:s5], [sflag:$0x3], $0x4000, $0x38;
	[tilespmem:$0x8000] =	vst v63  }
0x46: {  	_ =	swait.ge [sflag:s7], $0x4000  }
0x47: {  	[sflag:s7] =	ssyncset.done $0x0  }
.LBB2_2:
0x48: {  	[sflag:s7] =	ssyncadd.s32 $0xFFFFC000  }
0x49: {  	_ =	sfence.sel $0x180000  }
0x4a: {  	[bflag:$0x0] =	sbarrier.arrive $0xFFFF  }
0x4b: {  	p0 =	sne.s32 s0, $0x0;
	_ =	strace $0x90000047  }
0x4c: {  	s0 =	sadd.s32 @!p0 $0x100000, s1;
	[bflag:$0x2] =	sbarrier.arrive $0xFFFF  }
0x4d: {  	[sflag:s0] =	ssyncadd.tile.s32 @!p0 $0x1;
	_ =	shalt  }
.Lfunc_end2:
_tile_overlayer_lowered:
.L_overlay_start_2:
0x4e: {  	(tag) =	ssettag $0x2  }
0x4f: {  	s0 =	rddreg [dreg:$0x0];
	s2 =	stileid.u32  }
0x50: {  	s1 =	rddreg [dreg:$0x1];
	p0 =	sne.s32 s2, $0x0  }
0x51: {  	s3 =	rddreg [dreg:$0x2];
	[bflag:$0x3] =	sbarrier.arrive $0xFFFF;
	s2 =	simm.s32 @!p0 $0x1C04  }
0x52: {  	[timem:s3], [sflag:s2] =	dma.local @!p0 [hbm:s0], s1  }
0x53: {  	s0 =	simm.s32 @!p0 $0x4  }
0x54: {  	_ =	swait.ge @!p0 [sflag:s0], s1  }
0x55: {  	s1 =	ssub.s32 @!p0 $0x0, s1;
	[sflag:s0] =	ssyncset.done @!p0 $0x0  }
0x56: {  	[sflag:s0] =	ssyncadd.s32 @!p0 s1  }
0x57: {  	[bflag:$0x3] =	sbarrier.arrive $0xFFFF  }
0x58: {  	_ =	shalt  }

</sc_bundles>
